<compile_context>
chip_gen: v7x
topology: tpu7x:2x2x1
jax: 0.10.2.dev20260603
libtpu: 0.0.44.dev20260713+nightly
codegen_flags: <defaults>
</compile_context>

<pallas_src>
import jax
import jax.numpy as jnp
from jax import lax
from jax.experimental import pallas as pl
from jax.experimental.pallas import tpu as pltpu
from jax.experimental.pallas import tpu_sc as plsc
from jax._src.pallas import mpmd as _pl_mpmd

H = 180
W = 240
TAS = 3
NB = 4
MAXK = 8
N = 600000
HID = 20

B = NB * TAS
R = B * 2 * H * W
RP = R + 512
VOXN = MAXK * RP
DUMMY = VOXN

ET = 2048
NET = 320
NPAD = ET * NET

NC = 2
NS = 16
NW = NC * NS
EVW = NPAD // NW
CH = 128
NCH = EVW // CH
LANES = 16

T3 = 8192
G3 = (RP + T3 - 1) // T3


def _leaky(x):
    return jnp.where(x >= 0, x, 0.1 * x)


def _phase1_body(ev_ref, w1_ref, b1_ref, w2_ref, b2_ref, w3_ref, b3_ref,
                 val_ref, lin_ref):
    j = pl.program_id(0)
    ev = ev_ref[...]
    xc = ev[0:1, :].astype(jnp.int32)
    yc = ev[1:2, :].astype(jnp.int32)
    pc = ev[2:3, :].astype(jnp.int32)
    t = ev[3:4, :]
    ipc = ev[4:5, :].astype(jnp.int32)
    itc = ev[5:6, :].astype(jnp.int32)
    bc = ev[6:7, :].astype(jnp.int32)

    row = xc + W * yc + (W * H) * pc + (W * H * 2) * (bc * TAS + itc)
    lin = (ipc - 1) * RP + row
    col = j * ET + lax.broadcasted_iota(jnp.int32, (1, ET), 1)
    lin = jnp.where(col < N, lin, DUMMY)
    lin_ref[...] = lin

    h1 = _leaky(w1_ref[...] * t + b1_ref[...])
    h2 = _leaky(jnp.dot(w2_ref[...], h1,
                        preferred_element_type=jnp.float32) + b2_ref[...])
    val = jnp.dot(w3_ref[...], h2,
                  preferred_element_type=jnp.float32) + b3_ref[...]
    val_ref[...] = val


def _sc_scatter_body(lin_ref, val_ref, vzero_ref, vox_ref, idx_v, val_v, sem):
    wid = lax.axis_index("c") * NS + lax.axis_index("s")
    pltpu.sync_copy(lin_ref.at[wid], idx_v)
    pltpu.sync_copy(val_ref.at[wid], val_v)

    @pl.loop(0, NCH)
    def _(ch):
        pltpu.async_copy(val_v.at[ch], vox_ref.at[idx_v.at[ch]], sem)

    pltpu.make_async_copy(val_ref.at[wid], val_v, sem).wait()


def _phase3_body(v0, v1, v2, v3, v4, v5, v6, v7,
                 whh_ref, u_ref, v_ref, w2_ref, b2_ref, out_ref, vox_s):
    for k, vk in enumerate((v0, v1, v2, v3, v4, v5, v6, v7)):
        vox_s[k, :] = vk[...]
    vb = vox_s[...]
    length = jnp.sum((vb != 0.0).astype(jnp.int32), axis=0,
                     keepdims=True)
    rowsum = jnp.sum(vb, axis=0, keepdims=True)
    maxlen = jnp.max(length)

    whh = whh_ref[...]
    u = u_ref[...]
    v = v_ref[...]

    def step(k, carry):
        h, c = carry
        x = vox_s[pl.ds(k, 1), :]
        gates = (jnp.dot(whh, h, preferred_element_type=jnp.float32)
                 + u * x + v)
        i = jax.nn.sigmoid(gates[0 * HID:1 * HID])
        f = jax.nn.sigmoid(gates[1 * HID:2 * HID])
        g = jnp.tanh(gates[2 * HID:3 * HID])
        o = jax.nn.sigmoid(gates[3 * HID:4 * HID])
        c_new = f * c + i * g
        h_new = o * jnp.tanh(c_new)
        m = k < length
        return jnp.where(m, h_new, h), jnp.where(m, c_new, c)

    h0 = jnp.zeros((HID, T3), jnp.float32)
    c0 = jnp.zeros((HID, T3), jnp.float32)
    hT, _ = lax.fori_loop(0, maxlen, step, (h0, c0))
    out = jnp.dot(w2_ref[...], hT, preferred_element_type=jnp.float32) \
        + b2_ref[...]
    out_ref[...] = jnp.where(rowsum != 0.0, out, 0.0)[0]


def kernel(events, mlp_W1, mlp_b1, mlp_W2, mlp_b2, mlp_W3, mlp_b3,
           rnn_l1_W, rnn_l1_b, lstm_Wih, lstm_Whh, lstm_bih, lstm_bhh,
           rnn_l2_W, rnn_l2_b):
    f32 = jnp.float32
    ev = events.astype(f32)

    evT = jnp.zeros((7, NPAD), f32).at[:, :N].set(ev.T)
    w1c = mlp_W1.reshape(HID, 1)
    b1c = mlp_b1.reshape(HID, 1)
    b2c = mlp_b2.reshape(HID, 1)
    w3r = mlp_W3.reshape(1, HID)
    b3c = mlp_b3.reshape(1, 1)

    rep = lambda shape: pl.BlockSpec(shape, lambda j: (0, 0))
    val, lin = pl.pallas_call(
        _phase1_body,
        grid=(NET,),
        in_specs=[
            pl.BlockSpec((7, ET), lambda j: (0, j)),
            rep((HID, 1)), rep((HID, 1)), rep((HID, HID)), rep((HID, 1)),
            rep((1, HID)), rep((1, 1)),
        ],
        out_specs=[
            pl.BlockSpec((1, ET), lambda j: (0, j)),
            pl.BlockSpec((1, ET), lambda j: (0, j)),
        ],
        out_shape=[
            jax.ShapeDtypeStruct((1, NPAD), f32),
            jax.ShapeDtypeStruct((1, NPAD), jnp.int32),
        ],
    )(evT, w1c, b1c, mlp_W2, b2c, w3r, b3c)

    lin3 = lin.reshape(NW, NCH, CH)
    val3 = val.reshape(NW, NCH, CH)
    mesh = plsc.VectorSubcoreMesh(core_axis_name="c", subcore_axis_name="s",
                                  num_cores=NC, num_subcores=NS)
    sc_scatter = _pl_mpmd._mpmd_map(
        [(mesh, _sc_scatter_body)],
        jax.ShapeDtypeStruct((VOXN + 128,), f32),
        input_output_aliases={2: 0},
        scratch_types=[
            pltpu.VMEM((NCH, CH), jnp.int32),
            pltpu.VMEM((NCH, CH), f32),
            pltpu.SemaphoreType.DMA,
        ],
    )
    vox = sc_scatter(lin3, val3, jnp.zeros((VOXN + 128,), f32))
    planes = [lax.slice(vox, (k * RP,), ((k + 1) * RP,)) for k in range(MAXK)]

    w1v = rnn_l1_W.reshape(HID)
    u = (lstm_Wih @ w1v).reshape(4 * HID, 1)
    v = (lstm_Wih @ rnn_l1_b + lstm_bih + lstm_bhh).reshape(4 * HID, 1)

    gird = pl.pallas_call(
        _phase3_body,
        grid=(G3,),
        in_specs=[pl.BlockSpec((T3,), lambda j: (j,))] * MAXK + [
            rep((4 * HID, HID)), rep((4 * HID, 1)), rep((4 * HID, 1)),
            rep((1, HID)), rep((1, 1)),
        ],
        out_specs=pl.BlockSpec((T3,), lambda j: (j,)),
        out_shape=jax.ShapeDtypeStruct((R,), f32),
        scratch_shapes=[pltpu.VMEM((MAXK, T3), f32)],
    )(*planes, lstm_Whh, u, v, rnn_l2_W, rnn_l2_b.reshape(1, 1))

    return gird.reshape(B, 2, H, W)

# --- scband reference (transcript-rebuilt; emitter-appended) ---
"""Pipeline reference for scband-gird-52974126629188 (READ-ONLY COPY).

The authoritative reference and input builder live on the scoring server;
editing this copy changes nothing except your own understanding.
"""

import jax, jax.numpy as jnp
import numpy as np

H, W = 180, 240
TAS = 3
NB = 4
MAXK = 8
N = 600000
HID = 20


def setup_inputs(seed: int = 0):
    rng = np.random.default_rng(0)
    total = NB * TAS * 2 * H * W * MAXK
    ids = rng.permutation(total - 1)[:N - 1]
    ids = np.concatenate([ids, np.array([total - 1], dtype=ids.dtype)])
    ip = ids % MAXK + 1
    rem = ids // MAXK
    x = rem % W; rem = rem // W
    y = rem % H; rem = rem // H
    p = rem % 2; rem = rem // 2
    it = rem % TAS
    b = rem // TAS
    t = rng.uniform(-1.0, 1.0, size=N)
    events = np.stack([x, y, p, t, ip, it, b], axis=1).astype(np.float32)
    key = jax.random.key(seed)
    ks = jax.random.split(key, 14)
    g = lambda k, shape, s: jax.random.normal(k, shape, dtype=jnp.float32) * s
    return {
        'events': jnp.asarray(events),
        'mlp_W1': g(ks[0], (HID, 1), 0.5), 'mlp_b1': g(ks[1], (HID,), 0.1),
        'mlp_W2': g(ks[2], (HID, HID), 0.3), 'mlp_b2': g(ks[3], (HID,), 0.1),
        'mlp_W3': g(ks[4], (1, HID), 0.3), 'mlp_b3': g(ks[5], (1,), 0.1),
        'rnn_l1_W': g(ks[6], (HID, 1), 0.5), 'rnn_l1_b': g(ks[7], (HID,), 0.1),
        'lstm_Wih': g(ks[8], (4 * HID, HID), 0.2), 'lstm_Whh': g(ks[9], (4 * HID, HID), 0.2),
        'lstm_bih': g(ks[10], (4 * HID,), 0.1), 'lstm_bhh': g(ks[11], (4 * HID,), 0.1),
        'rnn_l2_W': g(ks[12], (1, HID), 0.3), 'rnn_l2_b': g(ks[13], (1,), 0.1),
    }


def _leaky(x):
    return jnp.where(x >= 0, x, 0.1 * x)


def _mlp(t, W1, b1, W2, b2, W3, b3):
    h = _leaky(t @ W1.T + b1)
    h = _leaky(h @ W2.T + b2)
    return h @ W3.T + b3


def _lstm_last_h(xseq, length, Wih, Whh, bih, bhh):
    R, Tn, _ = xseq.shape
    h0 = jnp.zeros((R, HID), jnp.float32)
    c0 = jnp.zeros((R, HID), jnp.float32)
    def step(carry, inp):
        h, c = carry
        x_t, ti = inp
        gates = x_t @ Wih.T + bih + h @ Whh.T + bhh
        i, f, gg, o = jnp.split(gates, 4, axis=1)
        i = jax.nn.sigmoid(i); f = jax.nn.sigmoid(f)
        gg = jnp.tanh(gg); o = jax.nn.sigmoid(o)
        c_new = f * c + i * gg
        h_new = o * jnp.tanh(c_new)
        m = (ti < length)[:, None]
        return (jnp.where(m, h_new, h), jnp.where(m, c_new, c)), None
    (hT, _), _ = jax.lax.scan(step, (h0, c0), (jnp.transpose(xseq, (1, 0, 2)), jnp.arange(Tn)))
    return hT


def reference(events, mlp_W1, mlp_b1, mlp_W2, mlp_b2, mlp_W3, mlp_b3,
              rnn_l1_W, rnn_l1_b, lstm_Wih, lstm_Whh, lstm_bih, lstm_bhh,
              rnn_l2_W, rnn_l2_b):
    ev = events.astype(jnp.float32)
    B = NB * TAS
    xc = ev[:, 0].astype(jnp.int32)
    yc = ev[:, 1].astype(jnp.int32)
    pc = ev[:, 2].astype(jnp.int32)
    t = ev[:, 3]
    ipc = ev[:, 4].astype(jnp.int32)
    itc = ev[:, 5].astype(jnp.int32)
    bc = ev[:, 6].astype(jnp.int32)
    maxk = MAXK
    values = _mlp(t[:, None], mlp_W1, mlp_b1, mlp_W2, mlp_b2, mlp_W3, mlp_b3)
    idx = (ipc - 1) + maxk * xc + maxk * W * yc + maxk * W * H * pc + maxk * W * H * 2 * (bc * TAS + itc)
    vox = jnp.zeros((B * 2 * H * W * maxk,), jnp.float32).at[idx].set(values[:, 0])
    vox = vox.reshape(B * 2 * H * W, maxk)
    mask = vox.sum(axis=1) != 0
    rnn_in = vox[:, :, None]
    length = (rnn_in != 0).sum(axis=(1, 2))
    short = rnn_in @ rnn_l1_W.T + rnn_l1_b
    hT = _lstm_last_h(short, length, lstm_Wih, lstm_Whh, lstm_bih, lstm_bhh)
    out = (hT @ rnn_l2_W.T + rnn_l2_b)[:, 0]
    gird = jnp.where(mask, out, jnp.zeros_like(out))
    return gird.reshape(B, 2, H, W)

if __name__ == "__main__":
    import jax
    _d = setup_inputs()
    print(jax.jit(kernel)(*tuple(_d.values())))

</pallas_src>

<mosaic_0001>
#map = affine_map<(d0, d1) -> (0, 0, 0)>
#map1 = affine_map<(d0, d1) -> (0)>
module attributes {stable_mosaic.version = 14 : i64} {
  func.func @_sc_scatter_body(%arg0: i32, %arg1: i32, %arg2: memref<32x160x128xi32, #tpu.memory_space<hbm>>, %arg3: memref<32x160x128xf32, #tpu.memory_space<hbm>>, %arg4: memref<8298624xf32, #tpu.memory_space<hbm>>, %arg5: memref<8298624xf32, #tpu.memory_space<hbm>>, %arg6: memref<160x128xi32, #tpu.memory_space<vmem>>, %arg7: memref<160x128xf32, #tpu.memory_space<vmem>>, %arg8: memref<!tpu.dma_semaphore, #tpu.memory_space<semaphore_mem>>) attributes {dimension_semantics = [#tpu.dimension_semantics<core_parallel>, #tpu.dimension_semantics<subcore_parallel>], iteration_bounds = array<i64: 2, 16>, scalar_prefetch = 0 : i64, scratch_operands = 3 : i64, tpu.core_type = #tpu.core_type<sc_vector_subcore>, window_params = [{transform_indices = #map}, {transform_indices = #map}, {transform_indices = #map1}, {transform_indices = #map1}]} {
    %mul3A = arith.constant 16 : i32
    %mul3A_0 = arith.muli %arg0, %mul3A : i32
    %add3A = arith.addi %mul3A_0, %arg1 : i32
    "tpu.region"() ({
      %run_scoped3A = tpu.sem_alloc : memref<!tpu.dma_semaphore, #tpu.memory_space<semaphore_mem>>
      %dma_start3A = arith.constant 0 : i32
      %dma_start3A_12 = arith.constant 0 : i32
      %dma_start3A_13 = tpu.memref_slice %arg2[%add3A, %dma_start3A, %dma_start3A_12] : memref<32x160x128xi32, #tpu.memory_space<hbm>> -> memref<1x160x128xi32, #tpu.memory_space<hbm>>
      %dma_start3A_14 = tpu.memref_squeeze %dma_start3A_13 : memref<1x160x128xi32, #tpu.memory_space<hbm>> -> memref<160x128xi32, #tpu.memory_space<hbm>>
      %dma_start3A_15 = arith.constant 0 : i32
      %dma_start3A_16 = arith.constant 0 : i32
      %dma_start3A_17 = tpu.memref_slice %arg2[%add3A, %dma_start3A_15, %dma_start3A_16] : memref<32x160x128xi32, #tpu.memory_space<hbm>> -> memref<1x160x128xi32, #tpu.memory_space<hbm>>
      %dma_start3A_18 = tpu.memref_squeeze %dma_start3A_17 : memref<1x160x128xi32, #tpu.memory_space<hbm>> -> memref<160x128xi32, #tpu.memory_space<hbm>>
      tpu.enqueue_dma source(%dma_start3A_18 : memref<160x128xi32, #tpu.memory_space<hbm>>) target(%arg6 : memref<160x128xi32, #tpu.memory_space<vmem>>) target_semaphore(%run_scoped3A : memref<!tpu.dma_semaphore, #tpu.memory_space<semaphore_mem>>)
      %dma_wait3A_19 = arith.constant 0 : i32
      %dma_wait3A_20 = arith.constant 0 : i32
      %dma_wait3A_21 = tpu.memref_slice %arg2[%add3A, %dma_wait3A_19, %dma_wait3A_20] : memref<32x160x128xi32, #tpu.memory_space<hbm>> -> memref<1x160x128xi32, #tpu.memory_space<hbm>>
      %dma_wait3A_22 = tpu.memref_squeeze %dma_wait3A_21 : memref<1x160x128xi32, #tpu.memory_space<hbm>> -> memref<160x128xi32, #tpu.memory_space<hbm>>
      %dma_wait3A_23 = arith.constant 0 : i32
      %dma_wait3A_24 = arith.constant 0 : i32
      %dma_wait3A_25 = tpu.memref_slice %arg2[%add3A, %dma_wait3A_23, %dma_wait3A_24] : memref<32x160x128xi32, #tpu.memory_space<hbm>> -> memref<1x160x128xi32, #tpu.memory_space<hbm>>
      %dma_wait3A_26 = tpu.memref_squeeze %dma_wait3A_25 : memref<1x160x128xi32, #tpu.memory_space<hbm>> -> memref<160x128xi32, #tpu.memory_space<hbm>>
      tpu.wait_dma2 semaphore(%run_scoped3A : memref<!tpu.dma_semaphore, #tpu.memory_space<semaphore_mem>>) src(%dma_wait3A_26 : memref<160x128xi32, #tpu.memory_space<hbm>>) dst(%arg6 : memref<160x128xi32, #tpu.memory_space<vmem>>)
      tpu.yield
    }) : () -> ()
    "tpu.region"() ({
      %run_scoped3A = tpu.sem_alloc : memref<!tpu.dma_semaphore, #tpu.memory_space<semaphore_mem>>
      %dma_start3A = arith.constant 0 : i32
      %dma_start3A_12 = arith.constant 0 : i32
      %dma_start3A_13 = tpu.memref_slice %arg3[%add3A, %dma_start3A, %dma_start3A_12] : memref<32x160x128xf32, #tpu.memory_space<hbm>> -> memref<1x160x128xf32, #tpu.memory_space<hbm>>
      %dma_start3A_14 = tpu.memref_squeeze %dma_start3A_13 : memref<1x160x128xf32, #tpu.memory_space<hbm>> -> memref<160x128xf32, #tpu.memory_space<hbm>>
      %dma_start3A_15 = arith.constant 0 : i32
      %dma_start3A_16 = arith.constant 0 : i32
      %dma_start3A_17 = tpu.memref_slice %arg3[%add3A, %dma_start3A_15, %dma_start3A_16] : memref<32x160x128xf32, #tpu.memory_space<hbm>> -> memref<1x160x128xf32, #tpu.memory_space<hbm>>
      %dma_start3A_18 = tpu.memref_squeeze %dma_start3A_17 : memref<1x160x128xf32, #tpu.memory_space<hbm>> -> memref<160x128xf32, #tpu.memory_space<hbm>>
      tpu.enqueue_dma source(%dma_start3A_18 : memref<160x128xf32, #tpu.memory_space<hbm>>) target(%arg7 : memref<160x128xf32, #tpu.memory_space<vmem>>) target_semaphore(%run_scoped3A : memref<!tpu.dma_semaphore, #tpu.memory_space<semaphore_mem>>)
      %dma_wait3A_19 = arith.constant 0 : i32
      %dma_wait3A_20 = arith.constant 0 : i32
      %dma_wait3A_21 = tpu.memref_slice %arg3[%add3A, %dma_wait3A_19, %dma_wait3A_20] : memref<32x160x128xf32, #tpu.memory_space<hbm>> -> memref<1x160x128xf32, #tpu.memory_space<hbm>>
      %dma_wait3A_22 = tpu.memref_squeeze %dma_wait3A_21 : memref<1x160x128xf32, #tpu.memory_space<hbm>> -> memref<160x128xf32, #tpu.memory_space<hbm>>
      %dma_wait3A_23 = arith.constant 0 : i32
      %dma_wait3A_24 = arith.constant 0 : i32
      %dma_wait3A_25 = tpu.memref_slice %arg3[%add3A, %dma_wait3A_23, %dma_wait3A_24] : memref<32x160x128xf32, #tpu.memory_space<hbm>> -> memref<1x160x128xf32, #tpu.memory_space<hbm>>
      %dma_wait3A_26 = tpu.memref_squeeze %dma_wait3A_25 : memref<1x160x128xf32, #tpu.memory_space<hbm>> -> memref<160x128xf32, #tpu.memory_space<hbm>>
      tpu.wait_dma2 semaphore(%run_scoped3A : memref<!tpu.dma_semaphore, #tpu.memory_space<semaphore_mem>>) src(%dma_wait3A_26 : memref<160x128xf32, #tpu.memory_space<hbm>>) dst(%arg7 : memref<160x128xf32, #tpu.memory_space<vmem>>)
      tpu.yield
    }) : () -> ()
    %scan3A = arith.constant 0 : i32
    %scan3A_1 = arith.constant 160 : i32
    %scan3A_2 = arith.addi %scan3A, %scan3A_1 : i32
    %scan3A_3 = arith.constant 1 : i32
    scf.for %scan3A_12 = %scan3A to %scan3A_2 step %scan3A_3  : i32 {
      %mul3A_13 = arith.constant 1 : i32
      %mul3A_14 = arith.muli %scan3A_12, %mul3A_13 : i32
      %add3A_15 = arith.constant 0 : i32
      %add3A_16 = arith.addi %add3A_15, %mul3A_14 : i32
      %dma_start3A = arith.constant 0 : i32
      %dma_start3A_17 = tpu.memref_slice %arg7[%add3A_16, %dma_start3A] : memref<160x128xf32, #tpu.memory_space<vmem>> -> memref<1x128xf32, #tpu.memory_space<vmem>>
      %dma_start3A_18 = tpu.memref_squeeze %dma_start3A_17 : memref<1x128xf32, #tpu.memory_space<vmem>> -> memref<128xf32, #tpu.memory_space<vmem>>
      %dma_start3A_19 = arith.constant 0 : i32
      %dma_start3A_20 = tpu.memref_slice %arg6[%add3A_16, %dma_start3A_19] : memref<160x128xi32, #tpu.memory_space<vmem>> -> memref<1x128xi32, #tpu.memory_space<vmem>>
      %dma_start3A_21 = tpu.memref_squeeze %dma_start3A_20 : memref<1x128xi32, #tpu.memory_space<vmem>> -> memref<128xi32, #tpu.memory_space<vmem>>
      %dma_start3A_22 = arith.constant 0 : i32
      %dma_start3A_23 = tpu.memref_slice %arg5[%dma_start3A_22] : memref<8298624xf32, #tpu.memory_space<hbm>> -> memref<8298624xf32, #tpu.memory_space<hbm>>
      tpu.enqueue_indirect_dma source(%dma_start3A_18 : memref<128xf32, #tpu.memory_space<vmem>>) target(%dma_start3A_23 : memref<8298624xf32, #tpu.memory_space<hbm>>) offsets(%dma_start3A_21 : memref<128xi32, #tpu.memory_space<vmem>>) semaphore(%arg8 : memref<!tpu.dma_semaphore, #tpu.memory_space<semaphore_mem>>)
    }
    %scan3A_4 = arith.constant 160 : i32
    %dma_wait3A = arith.constant 0 : i32
    %dma_wait3A_5 = arith.constant 0 : i32
    %dma_wait3A_6 = tpu.memref_slice %arg3[%add3A, %dma_wait3A, %dma_wait3A_5] : memref<32x160x128xf32, #tpu.memory_space<hbm>> -> memref<1x160x128xf32, #tpu.memory_space<hbm>>
    %dma_wait3A_7 = tpu.memref_squeeze %dma_wait3A_6 : memref<1x160x128xf32, #tpu.memory_space<hbm>> -> memref<160x128xf32, #tpu.memory_space<hbm>>
    %dma_wait3A_8 = arith.constant 0 : i32
    %dma_wait3A_9 = arith.constant 0 : i32
    %dma_wait3A_10 = tpu.memref_slice %arg3[%add3A, %dma_wait3A_8, %dma_wait3A_9] : memref<32x160x128xf32, #tpu.memory_space<hbm>> -> memref<1x160x128xf32, #tpu.memory_space<hbm>>
    %dma_wait3A_11 = tpu.memref_squeeze %dma_wait3A_10 : memref<1x160x128xf32, #tpu.memory_space<hbm>> -> memref<160x128xf32, #tpu.memory_space<hbm>>
    tpu.wait_dma2 semaphore(%arg8 : memref<!tpu.dma_semaphore, #tpu.memory_space<semaphore_mem>>) src(%dma_wait3A_11 : memref<160x128xf32, #tpu.memory_space<hbm>>) dst(%arg7 : memref<160x128xf32, #tpu.memory_space<vmem>>)
    return
  }
}

module attributes {stable_mosaic.version = 14 : i64} {
  func.func @_phase1_body(%arg0: i32, %arg1: memref<7x2048xf32, #tpu.memory_space<vmem>>, %arg2: memref<20x1xf32, #tpu.memory_space<vmem>>, %arg3: memref<20x1xf32, #tpu.memory_space<vmem>>, %arg4: memref<20x20xf32, #tpu.memory_space<vmem>>, %arg5: memref<20x1xf32, #tpu.memory_space<vmem>>, %arg6: memref<1x20xf32, #tpu.memory_space<vmem>>, %arg7: memref<1x1xf32, #tpu.memory_space<vmem>>, %arg8: memref<1x2048xf32, #tpu.memory_space<vmem>>, %arg9: memref<1x2048xi32, #tpu.memory_space<vmem>>) attributes {dimension_semantics = [#tpu.dimension_semantics<arbitrary>], iteration_bounds = array<i64: 320>, scalar_prefetch = 0 : i64, scratch_operands = 0 : i64, tpu.core_type = #tpu.core_type<tc>, window_params = [{transform_indices = @transform_0, window_bounds = array<i64: 7, 2048>}, {pipeline_mode = #tpu.pipeline_mode<synchronous>, transform_indices = @transform_1, window_bounds = array<i64: 20, 1>}, {pipeline_mode = #tpu.pipeline_mode<synchronous>, transform_indices = @transform_2, window_bounds = array<i64: 20, 1>}, {pipeline_mode = #tpu.pipeline_mode<synchronous>, transform_indices = @transform_3, window_bounds = array<i64: 20, 20>}, {pipeline_mode = #tpu.pipeline_mode<synchronous>, transform_indices = @transform_4, window_bounds = array<i64: 20, 1>}, {pipeline_mode = #tpu.pipeline_mode<synchronous>, transform_indices = @transform_5, window_bounds = array<i64: 1, 20>}, {pipeline_mode = #tpu.pipeline_mode<synchronous>, transform_indices = @transform_6, window_bounds = array<i64: 1, 1>}, {transform_indices = @transform_7, window_bounds = array<i64: 1, 2048>}, {transform_indices = @transform_8, window_bounds = array<i64: 1, 2048>}]} {
    %get3A = arith.constant 0 : index
    %get3A_0 = arith.constant 0 : index
    %get3A_1 = vector.load %arg1[%get3A, %get3A_0] : memref<7x2048xf32, #tpu.memory_space<vmem>>, vector<7x2048xf32>
    %slice3A = vector.extract_strided_slice %get3A_1 {offsets = [0, 0], sizes = [1, 2048], strides = [1, 1]} : vector<7x2048xf32> to vector<1x2048xf32>
    %convert_element_type3A = arith.fptosi %slice3A : vector<1x2048xf32> to vector<1x2048xi32>
    %slice3A_2 = vector.extract_strided_slice %get3A_1 {offsets = [1, 0], sizes = [1, 2048], strides = [1, 1]} : vector<7x2048xf32> to vector<1x2048xf32>
    %convert_element_type3A_3 = arith.fptosi %slice3A_2 : vector<1x2048xf32> to vector<1x2048xi32>
    %slice3A_4 = vector.extract_strided_slice %get3A_1 {offsets = [2, 0], sizes = [1, 2048], strides = [1, 1]} : vector<7x2048xf32> to vector<1x2048xf32>
    %convert_element_type3A_5 = arith.fptosi %slice3A_4 : vector<1x2048xf32> to vector<1x2048xi32>
    %slice3A_6 = vector.extract_strided_slice %get3A_1 {offsets = [3, 0], sizes = [1, 2048], strides = [1, 1]} : vector<7x2048xf32> to vector<1x2048xf32>
    %slice3A_7 = vector.extract_strided_slice %get3A_1 {offsets = [4, 0], sizes = [1, 2048], strides = [1, 1]} : vector<7x2048xf32> to vector<1x2048xf32>
    %convert_element_type3A_8 = arith.fptosi %slice3A_7 : vector<1x2048xf32> to vector<1x2048xi32>
    %slice3A_9 = vector.extract_strided_slice %get3A_1 {offsets = [5, 0], sizes = [1, 2048], strides = [1, 1]} : vector<7x2048xf32> to vector<1x2048xf32>
    %convert_element_type3A_10 = arith.fptosi %slice3A_9 : vector<1x2048xf32> to vector<1x2048xi32>
    %slice3A_11 = vector.extract_strided_slice %get3A_1 {offsets = [6, 0], sizes = [1, 2048], strides = [1, 1]} : vector<7x2048xf32> to vector<1x2048xf32>
    %convert_element_type3A_12 = arith.fptosi %slice3A_11 : vector<1x2048xf32> to vector<1x2048xi32>
    %mul3A = arith.constant 240 : i32
    %mul3A_13 = vector.broadcast %mul3A : i32 to vector<1x2048xi32>
    %mul3A_14 = arith.muli %mul3A_13, %convert_element_type3A_3 : vector<1x2048xi32>
    %add3A = arith.addi %convert_element_type3A, %mul3A_14 : vector<1x2048xi32>
    %mul3A_15 = arith.constant 43200 : i32
    %mul3A_16 = vector.broadcast %mul3A_15 : i32 to vector<1x2048xi32>
    %mul3A_17 = arith.muli %mul3A_16, %convert_element_type3A_5 : vector<1x2048xi32>
    %add3A_18 = arith.addi %add3A, %mul3A_17 : vector<1x2048xi32>
    %mul3A_19 = arith.constant 3 : i32
    %mul3A_20 = vector.broadcast %mul3A_19 : i32 to vector<1x2048xi32>
    %mul3A_21 = arith.muli %convert_element_type3A_12, %mul3A_20 : vector<1x2048xi32>
    %add3A_22 = arith.addi %mul3A_21, %convert_element_type3A_10 : vector<1x2048xi32>
    %mul3A_23 = arith.constant 86400 : i32
    %mul3A_24 = vector.broadcast %mul3A_23 : i32 to vector<1x2048xi32>
    %mul3A_25 = arith.muli %mul3A_24, %add3A_22 : vector<1x2048xi32>
    %add3A_26 = arith.addi %add3A_18, %mul3A_25 : vector<1x2048xi32>
    %sub3A = arith.constant 1 : i32
    %sub3A_27 = vector.broadcast %sub3A : i32 to vector<1x2048xi32>
    %sub3A_28 = arith.subi %convert_element_type3A_8, %sub3A_27 : vector<1x2048xi32>
    %mul3A_29 = arith.constant 1037312 : i32
    %mul3A_30 = vector.broadcast %mul3A_29 : i32 to vector<1x2048xi32>
    %mul3A_31 = arith.muli %sub3A_28, %mul3A_30 : vector<1x2048xi32>
    %add3A_32 = arith.addi %mul3A_31, %add3A_26 : vector<1x2048xi32>
    %mul3A_33 = arith.constant 2048 : i32
    %mul3A_34 = arith.muli %arg0, %mul3A_33 : i32
    %iota3A = tpu.iota {dimensions = array<i32: 1>} : vector<1x2048xi32>
    %add3A_35 = vector.broadcast %mul3A_34 : i32 to vector<1x2048xi32>
    %add3A_36 = arith.addi %add3A_35, %iota3A : vector<1x2048xi32>
    %lt3A = arith.constant 600000 : i32
    %lt3A_37 = vector.broadcast %lt3A : i32 to vector<1x2048xi32>
    %lt3A_38 = arith.cmpi slt, %add3A_36, %lt3A_37 : vector<1x2048xi32>
    %jit3A = arith.constant 8298496 : i32
    %broadcast_in_dim3A = vector.broadcast %jit3A : i32 to vector<1x2048xi32>
    %select_n3A = arith.select %lt3A_38, %add3A_32, %broadcast_in_dim3A : vector<1x2048xi1>, vector<1x2048xi32>
    %swap3A = arith.constant 0 : index
    %swap3A_39 = arith.constant 0 : index
    %swap3A_40 = vector.load %arg9[%swap3A, %swap3A_39] : memref<1x2048xi32, #tpu.memory_space<vmem>>, vector<1x2048xi32>
    tpu.vector_store %arg9[%swap3A, %swap3A_39], %select_n3A {strides = array<i32>} : memref<1x2048xi32, #tpu.memory_space<vmem>>, vector<1x2048xi32>,
    %get3A_41 = arith.constant 0 : index
    %get3A_42 = arith.constant 0 : index
    %get3A_43 = vector.load %arg2[%get3A_41, %get3A_42] : memref<20x1xf32, #tpu.memory_space<vmem>>, vector<20x1xf32>
    %mul3A_44 = vector.broadcast %get3A_43 : vector<20x1xf32> to vector<20x2048xf32>
    %mul3A_45 = vector.broadcast %slice3A_6 : vector<1x2048xf32> to vector<20x2048xf32>
    %mul3A_46 = arith.mulf %mul3A_44, %mul3A_45 : vector<20x2048xf32>
    %get3A_47 = arith.constant 0 : index
    %get3A_48 = arith.constant 0 : index
    %get3A_49 = vector.load %arg3[%get3A_47, %get3A_48] : memref<20x1xf32, #tpu.memory_space<vmem>>, vector<20x1xf32>
    %add3A_50 = vector.broadcast %get3A_49 : vector<20x1xf32> to vector<20x2048xf32>
    %add3A_51 = arith.addf %mul3A_46, %add3A_50 : vector<20x2048xf32>
    %ge3A = arith.constant 0.000000e+00 : f32
    %ge3A_52 = vector.broadcast %ge3A : f32 to vector<20x2048xf32>
    %ge3A_53 = arith.cmpf oge, %add3A_51, %ge3A_52 : vector<20x2048xf32>
    %mul3A_54 = arith.constant 1.000000e-01 : f32
    %mul3A_55 = vector.broadcast %mul3A_54 : f32 to vector<20x2048xf32>
    %mul3A_56 = arith.mulf %mul3A_55, %add3A_51 : vector<20x2048xf32>
    %select_n3A_57 = arith.select %ge3A_53, %add3A_51, %mul3A_56 : vector<20x2048xi1>, vector<20x2048xf32>
    %get3A_58 = arith.constant 0 : index
    %get3A_59 = arith.constant 0 : index
    %get3A_60 = vector.load %arg4[%get3A_58, %get3A_59] : memref<20x20xf32, #tpu.memory_space<vmem>>, vector<20x20xf32>
    %dot_general3A = arith.constant dense<0.000000e+00> : vector<20x2048xf32>
    %dot_general3A_61 = tpu.matmul %get3A_60, %select_n3A_57, %dot_general3A {dimension_numbers = #tpu.dot_dimension_numbers<[1], [0], [0], [1], [0, 0, 1, 1], [], []>, transpose_lhs_hint = false} : vector<20x20xf32>, vector<20x2048xf32>, vector<20x2048xf32> -> vector<20x2048xf32>
    %get3A_62 = arith.constant 0 : index
    %get3A_63 = arith.constant 0 : index
    %get3A_64 = vector.load %arg5[%get3A_62, %get3A_63] : memref<20x1xf32, #tpu.memory_space<vmem>>, vector<20x1xf32>
    %add3A_65 = vector.broadcast %get3A_64 : vector<20x1xf32> to vector<20x2048xf32>
    %add3A_66 = arith.addf %dot_general3A_61, %add3A_65 : vector<20x2048xf32>
    %ge3A_67 = arith.constant 0.000000e+00 : f32
    %ge3A_68 = vector.broadcast %ge3A_67 : f32 to vector<20x2048xf32>
    %ge3A_69 = arith.cmpf oge, %add3A_66, %ge3A_68 : vector<20x2048xf32>
    %mul3A_70 = arith.constant 1.000000e-01 : f32
    %mul3A_71 = vector.broadcast %mul3A_70 : f32 to vector<20x2048xf32>
    %mul3A_72 = arith.mulf %mul3A_71, %add3A_66 : vector<20x2048xf32>
    %select_n3A_73 = arith.select %ge3A_69, %add3A_66, %mul3A_72 : vector<20x2048xi1>, vector<20x2048xf32>
    %get3A_74 = arith.constant 0 : index
    %get3A_75 = arith.constant 0 : index
    %get3A_76 = vector.load %arg6[%get3A_74, %get3A_75] : memref<1x20xf32, #tpu.memory_space<vmem>>, vector<1x20xf32>
    %dot_general3A_77 = arith.constant dense<0.000000e+00> : vector<1x2048xf32>
    %dot_general3A_78 = tpu.matmul %get3A_76, %select_n3A_73, %dot_general3A_77 {dimension_numbers = #tpu.dot_dimension_numbers<[1], [0], [0], [1], [0, 0, 1, 1], [], []>, transpose_lhs_hint = false} : vector<1x20xf32>, vector<20x2048xf32>, vector<1x2048xf32> -> vector<1x2048xf32>
    %get3A_79 = arith.constant 0 : index
    %get3A_80 = arith.constant 0 : index
    %get3A_81 = vector.load %arg7[%get3A_79, %get3A_80] : memref<1x1xf32, #tpu.memory_space<vmem>>, vector<1x1xf32>
    %add3A_82 = vector.broadcast %get3A_81 : vector<1x1xf32> to vector<1x2048xf32>
    %add3A_83 = arith.addf %dot_general3A_78, %add3A_82 : vector<1x2048xf32>
    %swap3A_84 = arith.constant 0 : index
    %swap3A_85 = arith.constant 0 : index
    %swap3A_86 = vector.load %arg8[%swap3A_84, %swap3A_85] : memref<1x2048xf32, #tpu.memory_space<vmem>>, vector<1x2048xf32>
    tpu.vector_store %arg8[%swap3A_84, %swap3A_85], %add3A_83 {strides = array<i32>} : memref<1x2048xf32, #tpu.memory_space<vmem>>, vector<1x2048xf32>,
    return
  }
  func.func @transform_0(%arg0: i32) -> (i32, i32) {
    %c0_i32 = arith.constant 0 : i32
    %c0_i32_0 = arith.constant 0 : i32
    return %c0_i32, %arg0 : i32, i32
  }
  func.func @transform_1(%arg0: i32) -> (i32, i32) {
    %c0_i32 = arith.constant 0 : i32
    %c0_i32_0 = arith.constant 0 : i32
    %c0_i32_1 = arith.constant 0 : i32
    return %c0_i32, %c0_i32_0 : i32, i32
  }
  func.func @transform_2(%arg0: i32) -> (i32, i32) {
    %c0_i32 = arith.constant 0 : i32
    %c0_i32_0 = arith.constant 0 : i32
    %c0_i32_1 = arith.constant 0 : i32
    return %c0_i32, %c0_i32_0 : i32, i32
  }
  func.func @transform_3(%arg0: i32) -> (i32, i32) {
    %c0_i32 = arith.constant 0 : i32
    %c0_i32_0 = arith.constant 0 : i32
    %c0_i32_1 = arith.constant 0 : i32
    return %c0_i32, %c0_i32_0 : i32, i32
  }
  func.func @transform_4(%arg0: i32) -> (i32, i32) {
    %c0_i32 = arith.constant 0 : i32
    %c0_i32_0 = arith.constant 0 : i32
    %c0_i32_1 = arith.constant 0 : i32
    return %c0_i32, %c0_i32_0 : i32, i32
  }
  func.func @transform_5(%arg0: i32) -> (i32, i32) {
    %c0_i32 = arith.constant 0 : i32
    %c0_i32_0 = arith.constant 0 : i32
    %c0_i32_1 = arith.constant 0 : i32
    return %c0_i32, %c0_i32_0 : i32, i32
  }
  func.func @transform_6(%arg0: i32) -> (i32, i32) {
    %c0_i32 = arith.constant 0 : i32
    %c0_i32_0 = arith.constant 0 : i32
    %c0_i32_1 = arith.constant 0 : i32
    return %c0_i32, %c0_i32_0 : i32, i32
  }
  func.func @transform_7(%arg0: i32) -> (i32, i32) {
    %c0_i32 = arith.constant 0 : i32
    %c0_i32_0 = arith.constant 0 : i32
    return %c0_i32, %arg0 : i32, i32
  }
  func.func @transform_8(%arg0: i32) -> (i32, i32) {
    %c0_i32 = arith.constant 0 : i32
    %c0_i32_0 = arith.constant 0 : i32
    return %c0_i32, %arg0 : i32, i32
  }
}

module attributes {stable_mosaic.version = 14 : i64} {
  func.func @_phase3_body(%arg0: i32, %arg1: memref<8192xf32, #tpu.memory_space<vmem>>, %arg2: memref<8192xf32, #tpu.memory_space<vmem>>, %arg3: memref<8192xf32, #tpu.memory_space<vmem>>, %arg4: memref<8192xf32, #tpu.memory_space<vmem>>, %arg5: memref<8192xf32, #tpu.memory_space<vmem>>, %arg6: memref<8192xf32, #tpu.memory_space<vmem>>, %arg7: memref<8192xf32, #tpu.memory_space<vmem>>, %arg8: memref<8192xf32, #tpu.memory_space<vmem>>, %arg9: memref<80x20xf32, #tpu.memory_space<vmem>>, %arg10: memref<80x1xf32, #tpu.memory_space<vmem>>, %arg11: memref<80x1xf32, #tpu.memory_space<vmem>>, %arg12: memref<1x20xf32, #tpu.memory_space<vmem>>, %arg13: memref<1x1xf32, #tpu.memory_space<vmem>>, %arg14: memref<8192xf32, #tpu.memory_space<vmem>>, %arg15: memref<8x8192xf32, #tpu.memory_space<vmem>>) attributes {dimension_semantics = [#tpu.dimension_semantics<arbitrary>], iteration_bounds = array<i64: 127>, scalar_prefetch = 0 : i64, scratch_operands = 1 : i64, tpu.core_type = #tpu.core_type<tc>, window_params = [{transform_indices = @transform_0, window_bounds = array<i64: 8192>}, {transform_indices = @transform_1, window_bounds = array<i64: 8192>}, {transform_indices = @transform_2, window_bounds = array<i64: 8192>}, {transform_indices = @transform_3, window_bounds = array<i64: 8192>}, {transform_indices = @transform_4, window_bounds = array<i64: 8192>}, {transform_indices = @transform_5, window_bounds = array<i64: 8192>}, {transform_indices = @transform_6, window_bounds = array<i64: 8192>}, {transform_indices = @transform_7, window_bounds = array<i64: 8192>}, {pipeline_mode = #tpu.pipeline_mode<synchronous>, transform_indices = @transform_8, window_bounds = array<i64: 80, 20>}, {pipeline_mode = #tpu.pipeline_mode<synchronous>, transform_indices = @transform_9, window_bounds = array<i64: 80, 1>}, {pipeline_mode = #tpu.pipeline_mode<synchronous>, transform_indices = @transform_10, window_bounds = array<i64: 80, 1>}, {pipeline_mode = #tpu.pipeline_mode<synchronous>, transform_indices = @transform_11, window_bounds = array<i64: 1, 20>}, {pipeline_mode = #tpu.pipeline_mode<synchronous>, transform_indices = @transform_12, window_bounds = array<i64: 1, 1>}, {transform_indices = @transform_13, window_bounds = array<i64: 8192>}]} {
    %get3A = arith.constant 0 : index
    %get3A_0 = vector.load %arg1[%get3A] : memref<8192xf32, #tpu.memory_space<vmem>>, vector<8192xf32>
    %swap3A = arith.constant 0 : index
    %swap3A_1 = arith.constant 0 : index
    %swap3A_2 = vector.load %arg15[%swap3A, %swap3A_1] : memref<8x8192xf32, #tpu.memory_space<vmem>>, vector<1x8192xf32>
    %swap3A_3 = vector.shape_cast %swap3A_2 : vector<1x8192xf32> to vector<8192xf32>
    %swap3A_4 = vector.shape_cast %get3A_0 : vector<8192xf32> to vector<1x8192xf32>
    tpu.vector_store %arg15[%swap3A, %swap3A_1], %swap3A_4 {strides = array<i32>} : memref<8x8192xf32, #tpu.memory_space<vmem>>, vector<1x8192xf32>,
    %get3A_5 = arith.constant 0 : index
    %get3A_6 = vector.load %arg2[%get3A_5] : memref<8192xf32, #tpu.memory_space<vmem>>, vector<8192xf32>
    %swap3A_7 = arith.constant 1 : index
    %swap3A_8 = arith.constant 0 : index
    %swap3A_9 = vector.load %arg15[%swap3A_7, %swap3A_8] : memref<8x8192xf32, #tpu.memory_space<vmem>>, vector<1x8192xf32>
    %swap3A_10 = vector.shape_cast %swap3A_9 : vector<1x8192xf32> to vector<8192xf32>
    %swap3A_11 = vector.shape_cast %get3A_6 : vector<8192xf32> to vector<1x8192xf32>
    tpu.vector_store %arg15[%swap3A_7, %swap3A_8], %swap3A_11 {strides = array<i32>} : memref<8x8192xf32, #tpu.memory_space<vmem>>, vector<1x8192xf32>,
    %get3A_12 = arith.constant 0 : index
    %get3A_13 = vector.load %arg3[%get3A_12] : memref<8192xf32, #tpu.memory_space<vmem>>, vector<8192xf32>
    %swap3A_14 = arith.constant 2 : index
    %swap3A_15 = arith.constant 0 : index
    %swap3A_16 = vector.load %arg15[%swap3A_14, %swap3A_15] : memref<8x8192xf32, #tpu.memory_space<vmem>>, vector<1x8192xf32>
    %swap3A_17 = vector.shape_cast %swap3A_16 : vector<1x8192xf32> to vector<8192xf32>
    %swap3A_18 = vector.shape_cast %get3A_13 : vector<8192xf32> to vector<1x8192xf32>
    tpu.vector_store %arg15[%swap3A_14, %swap3A_15], %swap3A_18 {strides = array<i32>} : memref<8x8192xf32, #tpu.memory_space<vmem>>, vector<1x8192xf32>,
    %get3A_19 = arith.constant 0 : index
    %get3A_20 = vector.load %arg4[%get3A_19] : memref<8192xf32, #tpu.memory_space<vmem>>, vector<8192xf32>
    %swap3A_21 = arith.constant 3 : index
    %swap3A_22 = arith.constant 0 : index
    %swap3A_23 = vector.load %arg15[%swap3A_21, %swap3A_22] : memref<8x8192xf32, #tpu.memory_space<vmem>>, vector<1x8192xf32>
    %swap3A_24 = vector.shape_cast %swap3A_23 : vector<1x8192xf32> to vector<8192xf32>
    %swap3A_25 = vector.shape_cast %get3A_20 : vector<8192xf32> to vector<1x8192xf32>
    tpu.vector_store %arg15[%swap3A_21, %swap3A_22], %swap3A_25 {strides = array<i32>} : memref<8x8192xf32, #tpu.memory_space<vmem>>, vector<1x8192xf32>,
    %get3A_26 = arith.constant 0 : index
    %get3A_27 = vector.load %arg5[%get3A_26] : memref<8192xf32, #tpu.memory_space<vmem>>, vector<8192xf32>
    %swap3A_28 = arith.constant 4 : index
    %swap3A_29 = arith.constant 0 : index
    %swap3A_30 = vector.load %arg15[%swap3A_28, %swap3A_29] : memref<8x8192xf32, #tpu.memory_space<vmem>>, vector<1x8192xf32>
    %swap3A_31 = vector.shape_cast %swap3A_30 : vector<1x8192xf32> to vector<8192xf32>
    %swap3A_32 = vector.shape_cast %get3A_27 : vector<8192xf32> to vector<1x8192xf32>
    tpu.vector_store %arg15[%swap3A_28, %swap3A_29], %swap3A_32 {strides = array<i32>} : memref<8x8192xf32, #tpu.memory_space<vmem>>, vector<1x8192xf32>,
    %get3A_33 = arith.constant 0 : index
    %get3A_34 = vector.load %arg6[%get3A_33] : memref<8192xf32, #tpu.memory_space<vmem>>, vector<8192xf32>
    %swap3A_35 = arith.constant 5 : index
    %swap3A_36 = arith.constant 0 : index
    %swap3A_37 = vector.load %arg15[%swap3A_35, %swap3A_36] : memref<8x8192xf32, #tpu.memory_space<vmem>>, vector<1x8192xf32>
    %swap3A_38 = vector.shape_cast %swap3A_37 : vector<1x8192xf32> to vector<8192xf32>
    %swap3A_39 = vector.shape_cast %get3A_34 : vector<8192xf32> to vector<1x8192xf32>
    tpu.vector_store %arg15[%swap3A_35, %swap3A_36], %swap3A_39 {strides = array<i32>} : memref<8x8192xf32, #tpu.memory_space<vmem>>, vector<1x8192xf32>,
    %get3A_40 = arith.constant 0 : index
    %get3A_41 = vector.load %arg7[%get3A_40] : memref<8192xf32, #tpu.memory_space<vmem>>, vector<8192xf32>
    %swap3A_42 = arith.constant 6 : index
    %swap3A_43 = arith.constant 0 : index
    %swap3A_44 = vector.load %arg15[%swap3A_42, %swap3A_43] : memref<8x8192xf32, #tpu.memory_space<vmem>>, vector<1x8192xf32>
    %swap3A_45 = vector.shape_cast %swap3A_44 : vector<1x8192xf32> to vector<8192xf32>
    %swap3A_46 = vector.shape_cast %get3A_41 : vector<8192xf32> to vector<1x8192xf32>
    tpu.vector_store %arg15[%swap3A_42, %swap3A_43], %swap3A_46 {strides = array<i32>} : memref<8x8192xf32, #tpu.memory_space<vmem>>, vector<1x8192xf32>,
    %get3A_47 = arith.constant 0 : index
    %get3A_48 = vector.load %arg8[%get3A_47] : memref<8192xf32, #tpu.memory_space<vmem>>, vector<8192xf32>
    %swap3A_49 = arith.constant 7 : index
    %swap3A_50 = arith.constant 0 : index
    %swap3A_51 = vector.load %arg15[%swap3A_49, %swap3A_50] : memref<8x8192xf32, #tpu.memory_space<vmem>>, vector<1x8192xf32>
    %swap3A_52 = vector.shape_cast %swap3A_51 : vector<1x8192xf32> to vector<8192xf32>
    %swap3A_53 = vector.shape_cast %get3A_48 : vector<8192xf32> to vector<1x8192xf32>
    tpu.vector_store %arg15[%swap3A_49, %swap3A_50], %swap3A_53 {strides = array<i32>} : memref<8x8192xf32, #tpu.memory_space<vmem>>, vector<1x8192xf32>,
    %get3A_54 = arith.constant 0 : index
    %get3A_55 = arith.constant 0 : index
    %get3A_56 = vector.load %arg15[%get3A_54, %get3A_55] : memref<8x8192xf32, #tpu.memory_space<vmem>>, vector<8x8192xf32>
    %ne3A = arith.constant 0.000000e+00 : f32
    %ne3A_57 = vector.broadcast %ne3A : f32 to vector<8x8192xf32>
    %ne3A_58 = arith.cmpf one, %get3A_56, %ne3A_57 : vector<8x8192xf32>
    %convert_element_type3A = arith.extui %ne3A_58 : vector<8x8192xi1> to vector<8x8192xi32>
    %reduce_sum3A = arith.constant dense<0> : vector<8192xi32>
    %reduce_sum3A_59 = vector.multi_reduction <add>, %convert_element_type3A, %reduce_sum3A [0] : vector<8x8192xi32> to vector<8192xi32>
    %broadcast_in_dim3A = vector.shape_cast %reduce_sum3A_59 : vector<8192xi32> to vector<1x8192xi32>
    %reduce_sum3A_60 = arith.constant dense<0.000000e+00> : vector<8192xf32>
    %reduce_sum3A_61 = vector.multi_reduction <add>, %get3A_56, %reduce_sum3A_60 [0] : vector<8x8192xf32> to vector<8192xf32>
    %broadcast_in_dim3A_62 = vector.shape_cast %reduce_sum3A_61 : vector<8192xf32> to vector<1x8192xf32>
    %reduce_max3A = vector.shape_cast %broadcast_in_dim3A : vector<1x8192xi32> to vector<1x1x8192xi32>
    %reduce_max3A_63 = arith.constant dense<-2147483648> : vector<1xi32>
    %reduce_max3A_64 = vector.multi_reduction <maxsi>, %reduce_max3A, %reduce_max3A_63 [1, 2] : vector<1x1x8192xi32> to vector<1xi32>
    %reduce_max3A_65 = vector.shape_cast %reduce_max3A_64 : vector<1xi32> to vector<1x1x1xi32>
    %reduce_max3A_66 = vector.extract %reduce_max3A_65[0, 0, 0] : i32 from vector<1x1x1xi32>
    %get3A_67 = arith.constant 0 : index
    %get3A_68 = arith.constant 0 : index
    %get3A_69 = vector.load %arg9[%get3A_67, %get3A_68] : memref<80x20xf32, #tpu.memory_space<vmem>>, vector<80x20xf32>
    %get3A_70 = arith.constant 0 : index
    %get3A_71 = arith.constant 0 : index
    %get3A_72 = vector.load %arg10[%get3A_70, %get3A_71] : memref<80x1xf32, #tpu.memory_space<vmem>>, vector<80x1xf32>
    %get3A_73 = arith.constant 0 : index
    %get3A_74 = arith.constant 0 : index
    %get3A_75 = vector.load %arg11[%get3A_73, %get3A_74] : memref<80x1xf32, #tpu.memory_space<vmem>>, vector<80x1xf32>
    %broadcast_in_dim3A_76 = arith.constant 0.000000e+00 : f32
    %broadcast_in_dim3A_77 = vector.broadcast %broadcast_in_dim3A_76 : f32 to vector<20x8192xf32>
    %broadcast_in_dim3A_78 = arith.constant 0.000000e+00 : f32
    %broadcast_in_dim3A_79 = vector.broadcast %broadcast_in_dim3A_78 : f32 to vector<20x8192xf32>
    %while3A = arith.constant 0 : i32
    %while3A_80 = arith.subi %reduce_max3A_66, %while3A : i32
    %while3A_81 = arith.addi %while3A, %while3A_80 : i32
    %while3A_82 = arith.constant 1 : i32
    %while3A_83 = arith.divsi %while3A_80, %while3A_82 : i32
    %while3A_84 = arith.muli %while3A_83, %while3A_82 : i32
    %while3A_85 = arith.addi %while3A, %while3A_84 : i32
    %while3A_86 = arith.constant 1 : i32
    %while3A_87:2 = scf.for %while3A_104 = %while3A to %while3A_85 step %while3A_86 iter_args(%while3A_105 = %broadcast_in_dim3A_77, %while3A_106 = %broadcast_in_dim3A_79) -> (vector<20x8192xf32>, vector<20x8192xf32>)  : i32 {
      %get3A_107 = arith.index_cast %while3A_104 : i32 to index
      %get3A_108 = arith.constant 0 : index
      %get3A_109 = vector.load %arg15[%get3A_107, %get3A_108] : memref<8x8192xf32, #tpu.memory_space<vmem>>, vector<1x8192xf32>
      %dot_general3A_110 = arith.constant dense<0.000000e+00> : vector<80x8192xf32>
      %dot_general3A_111 = tpu.matmul %get3A_69, %while3A_105, %dot_general3A_110 {dimension_numbers = #tpu.dot_dimension_numbers<[1], [0], [0], [1], [0, 0, 1, 1], [], []>, transpose_lhs_hint = false} : vector<80x20xf32>, vector<20x8192xf32>, vector<80x8192xf32> -> vector<80x8192xf32>
      %mul3A = vector.broadcast %get3A_72 : vector<80x1xf32> to vector<80x8192xf32>
      %mul3A_112 = vector.broadcast %get3A_109 : vector<1x8192xf32> to vector<80x8192xf32>
      %mul3A_113 = arith.mulf %mul3A, %mul3A_112 : vector<80x8192xf32>
      %add3A_114 = arith.addf %dot_general3A_111, %mul3A_113 : vector<80x8192xf32>
      %add3A_115 = vector.broadcast %get3A_75 : vector<80x1xf32> to vector<80x8192xf32>
      %add3A_116 = arith.addf %add3A_114, %add3A_115 : vector<80x8192xf32>
      %slice3A = vector.extract_strided_slice %add3A_116 {offsets = [0, 0], sizes = [20, 8192], strides = [1, 1]} : vector<80x8192xf32> to vector<20x8192xf32>
      %logistic3A = arith.negf %slice3A : vector<20x8192xf32>
      %logistic3A_117 = math.exp %logistic3A : vector<20x8192xf32>
      %logistic3A_118 = arith.constant 1.000000e+00 : f32
      %logistic3A_119 = vector.broadcast %logistic3A_118 : f32 to vector<20x8192xf32>
      %logistic3A_120 = arith.addf %logistic3A_119, %logistic3A_117 : vector<20x8192xf32>
      %logistic3A_121 = arith.divf %logistic3A_119, %logistic3A_120 : vector<20x8192xf32>
      %slice3A_122 = vector.extract_strided_slice %add3A_116 {offsets = [20, 0], sizes = [20, 8192], strides = [1, 1]} : vector<80x8192xf32> to vector<20x8192xf32>
      %logistic3A_123 = arith.negf %slice3A_122 : vector<20x8192xf32>
      %logistic3A_124 = math.exp %logistic3A_123 : vector<20x8192xf32>
      %logistic3A_125 = arith.constant 1.000000e+00 : f32
      %logistic3A_126 = vector.broadcast %logistic3A_125 : f32 to vector<20x8192xf32>
      %logistic3A_127 = arith.addf %logistic3A_126, %logistic3A_124 : vector<20x8192xf32>
      %logistic3A_128 = arith.divf %logistic3A_126, %logistic3A_127 : vector<20x8192xf32>
      %slice3A_129 = vector.extract_strided_slice %add3A_116 {offsets = [40, 0], sizes = [20, 8192], strides = [1, 1]} : vector<80x8192xf32> to vector<20x8192xf32>
      %tanh3A = math.tanh %slice3A_129 : vector<20x8192xf32>
      %slice3A_130 = vector.extract_strided_slice %add3A_116 {offsets = [60, 0], sizes = [20, 8192], strides = [1, 1]} : vector<80x8192xf32> to vector<20x8192xf32>
      %logistic3A_131 = arith.negf %slice3A_130 : vector<20x8192xf32>
      %logistic3A_132 = math.exp %logistic3A_131 : vector<20x8192xf32>
      %logistic3A_133 = arith.constant 1.000000e+00 : f32
      %logistic3A_134 = vector.broadcast %logistic3A_133 : f32 to vector<20x8192xf32>
      %logistic3A_135 = arith.addf %logistic3A_134, %logistic3A_132 : vector<20x8192xf32>
      %logistic3A_136 = arith.divf %logistic3A_134, %logistic3A_135 : vector<20x8192xf32>
      %mul3A_137 = arith.mulf %logistic3A_128, %while3A_106 : vector<20x8192xf32>
      %mul3A_138 = arith.mulf %logistic3A_121, %tanh3A : vector<20x8192xf32>
      %add3A_139 = arith.addf %mul3A_137, %mul3A_138 : vector<20x8192xf32>
      %tanh3A_140 = math.tanh %add3A_139 : vector<20x8192xf32>
      %mul3A_141 = arith.mulf %logistic3A_136, %tanh3A_140 : vector<20x8192xf32>
      %lt3A = vector.broadcast %while3A_104 : i32 to vector<1x8192xi32>
      %lt3A_142 = arith.cmpi slt, %lt3A, %broadcast_in_dim3A : vector<1x8192xi32>
      %broadcast_in_dim3A_143 = vector.shape_cast %lt3A_142 : vector<1x8192xi1> to vector<1x8192xi1>
      %broadcast_in_dim3A_144 = vector.broadcast %broadcast_in_dim3A_143 : vector<1x8192xi1> to vector<20x8192xi1>
      %select_n3A_145 = arith.select %broadcast_in_dim3A_144, %mul3A_141, %while3A_105 : vector<20x8192xi1>, vector<20x8192xf32>
      %broadcast_in_dim3A_146 = vector.shape_cast %lt3A_142 : vector<1x8192xi1> to vector<1x8192xi1>
      %broadcast_in_dim3A_147 = vector.broadcast %broadcast_in_dim3A_146 : vector<1x8192xi1> to vector<20x8192xi1>
      %select_n3A_148 = arith.select %broadcast_in_dim3A_147, %add3A_139, %while3A_106 : vector<20x8192xi1>, vector<20x8192xf32>
      scf.yield %select_n3A_145, %select_n3A_148 : vector<20x8192xf32>, vector<20x8192xf32>
    }
    %while3A_88 = arith.constant 1 : i32
    %while3A_89:2 = scf.for %while3A_104 = %while3A_85 to %while3A_81 step %while3A_88 iter_args(%while3A_105 = %while3A_87#0, %while3A_106 = %while3A_87#1) -> (vector<20x8192xf32>, vector<20x8192xf32>)  : i32 {
      %get3A_107 = arith.index_cast %while3A_104 : i32 to index
      %get3A_108 = arith.constant 0 : index
      %get3A_109 = vector.load %arg15[%get3A_107, %get3A_108] : memref<8x8192xf32, #tpu.memory_space<vmem>>, vector<1x8192xf32>
      %dot_general3A_110 = arith.constant dense<0.000000e+00> : vector<80x8192xf32>
      %dot_general3A_111 = tpu.matmul %get3A_69, %while3A_105, %dot_general3A_110 {dimension_numbers = #tpu.dot_dimension_numbers<[1], [0], [0], [1], [0, 0, 1, 1], [], []>, transpose_lhs_hint = false} : vector<80x20xf32>, vector<20x8192xf32>, vector<80x8192xf32> -> vector<80x8192xf32>
      %mul3A = vector.broadcast %get3A_72 : vector<80x1xf32> to vector<80x8192xf32>
      %mul3A_112 = vector.broadcast %get3A_109 : vector<1x8192xf32> to vector<80x8192xf32>
      %mul3A_113 = arith.mulf %mul3A, %mul3A_112 : vector<80x8192xf32>
      %add3A_114 = arith.addf %dot_general3A_111, %mul3A_113 : vector<80x8192xf32>
      %add3A_115 = vector.broadcast %get3A_75 : vector<80x1xf32> to vector<80x8192xf32>
      %add3A_116 = arith.addf %add3A_114, %add3A_115 : vector<80x8192xf32>
      %slice3A = vector.extract_strided_slice %add3A_116 {offsets = [0, 0], sizes = [20, 8192], strides = [1, 1]} : vector<80x8192xf32> to vector<20x8192xf32>
      %logistic3A = arith.negf %slice3A : vector<20x8192xf32>
      %logistic3A_117 = math.exp %logistic3A : vector<20x8192xf32>
      %logistic3A_118 = arith.constant 1.000000e+00 : f32
      %logistic3A_119 = vector.broadcast %logistic3A_118 : f32 to vector<20x8192xf32>
      %logistic3A_120 = arith.addf %logistic3A_119, %logistic3A_117 : vector<20x8192xf32>
      %logistic3A_121 = arith.divf %logistic3A_119, %logistic3A_120 : vector<20x8192xf32>
      %slice3A_122 = vector.extract_strided_slice %add3A_116 {offsets = [20, 0], sizes = [20, 8192], strides = [1, 1]} : vector<80x8192xf32> to vector<20x8192xf32>
      %logistic3A_123 = arith.negf %slice3A_122 : vector<20x8192xf32>
      %logistic3A_124 = math.exp %logistic3A_123 : vector<20x8192xf32>
      %logistic3A_125 = arith.constant 1.000000e+00 : f32
      %logistic3A_126 = vector.broadcast %logistic3A_125 : f32 to vector<20x8192xf32>
      %logistic3A_127 = arith.addf %logistic3A_126, %logistic3A_124 : vector<20x8192xf32>
      %logistic3A_128 = arith.divf %logistic3A_126, %logistic3A_127 : vector<20x8192xf32>
      %slice3A_129 = vector.extract_strided_slice %add3A_116 {offsets = [40, 0], sizes = [20, 8192], strides = [1, 1]} : vector<80x8192xf32> to vector<20x8192xf32>
      %tanh3A = math.tanh %slice3A_129 : vector<20x8192xf32>
      %slice3A_130 = vector.extract_strided_slice %add3A_116 {offsets = [60, 0], sizes = [20, 8192], strides = [1, 1]} : vector<80x8192xf32> to vector<20x8192xf32>
      %logistic3A_131 = arith.negf %slice3A_130 : vector<20x8192xf32>
      %logistic3A_132 = math.exp %logistic3A_131 : vector<20x8192xf32>
      %logistic3A_133 = arith.constant 1.000000e+00 : f32
      %logistic3A_134 = vector.broadcast %logistic3A_133 : f32 to vector<20x8192xf32>
      %logistic3A_135 = arith.addf %logistic3A_134, %logistic3A_132 : vector<20x8192xf32>
      %logistic3A_136 = arith.divf %logistic3A_134, %logistic3A_135 : vector<20x8192xf32>
      %mul3A_137 = arith.mulf %logistic3A_128, %while3A_106 : vector<20x8192xf32>
      %mul3A_138 = arith.mulf %logistic3A_121, %tanh3A : vector<20x8192xf32>
      %add3A_139 = arith.addf %mul3A_137, %mul3A_138 : vector<20x8192xf32>
      %tanh3A_140 = math.tanh %add3A_139 : vector<20x8192xf32>
      %mul3A_141 = arith.mulf %logistic3A_136, %tanh3A_140 : vector<20x8192xf32>
      %lt3A = vector.broadcast %while3A_104 : i32 to vector<1x8192xi32>
      %lt3A_142 = arith.cmpi slt, %lt3A, %broadcast_in_dim3A : vector<1x8192xi32>
      %broadcast_in_dim3A_143 = vector.shape_cast %lt3A_142 : vector<1x8192xi1> to vector<1x8192xi1>
      %broadcast_in_dim3A_144 = vector.broadcast %broadcast_in_dim3A_143 : vector<1x8192xi1> to vector<20x8192xi1>
      %select_n3A_145 = arith.select %broadcast_in_dim3A_144, %mul3A_141, %while3A_105 : vector<20x8192xi1>, vector<20x8192xf32>
      %broadcast_in_dim3A_146 = vector.shape_cast %lt3A_142 : vector<1x8192xi1> to vector<1x8192xi1>
      %broadcast_in_dim3A_147 = vector.broadcast %broadcast_in_dim3A_146 : vector<1x8192xi1> to vector<20x8192xi1>
      %select_n3A_148 = arith.select %broadcast_in_dim3A_147, %add3A_139, %while3A_106 : vector<20x8192xi1>, vector<20x8192xf32>
      scf.yield %select_n3A_145, %select_n3A_148 : vector<20x8192xf32>, vector<20x8192xf32>
    }
    %get3A_90 = arith.constant 0 : index
    %get3A_91 = arith.constant 0 : index
    %get3A_92 = vector.load %arg12[%get3A_90, %get3A_91] : memref<1x20xf32, #tpu.memory_space<vmem>>, vector<1x20xf32>
    %dot_general3A = arith.constant dense<0.000000e+00> : vector<1x8192xf32>
    %dot_general3A_93 = tpu.matmul %get3A_92, %while3A_89#0, %dot_general3A {dimension_numbers = #tpu.dot_dimension_numbers<[1], [0], [0], [1], [0, 0, 1, 1], [], []>, transpose_lhs_hint = false} : vector<1x20xf32>, vector<20x8192xf32>, vector<1x8192xf32> -> vector<1x8192xf32>
    %get3A_94 = arith.constant 0 : index
    %get3A_95 = arith.constant 0 : index
    %get3A_96 = vector.load %arg13[%get3A_94, %get3A_95] : memref<1x1xf32, #tpu.memory_space<vmem>>, vector<1x1xf32>
    %add3A = vector.broadcast %get3A_96 : vector<1x1xf32> to vector<1x8192xf32>
    %add3A_97 = arith.addf %dot_general3A_93, %add3A : vector<1x8192xf32>
    %ne3A_98 = arith.constant 0.000000e+00 : f32
    %ne3A_99 = vector.broadcast %ne3A_98 : f32 to vector<1x8192xf32>
    %ne3A_100 = arith.cmpf one, %broadcast_in_dim3A_62, %ne3A_99 : vector<1x8192xf32>
    %jit3A = arith.constant 0.000000e+00 : f32
    %broadcast_in_dim3A_101 = vector.broadcast %jit3A : f32 to vector<1x8192xf32>
    %select_n3A = arith.select %ne3A_100, %add3A_97, %broadcast_in_dim3A_101 : vector<1x8192xi1>, vector<1x8192xf32>
    %squeeze3A = vector.shape_cast %select_n3A : vector<1x8192xf32> to vector<8192xf32>
    %swap3A_102 = arith.constant 0 : index
    %swap3A_103 = vector.load %arg14[%swap3A_102] : memref<8192xf32, #tpu.memory_space<vmem>>, vector<8192xf32>
    tpu.vector_store %arg14[%swap3A_102], %squeeze3A {strides = array<i32>} : memref<8192xf32, #tpu.memory_space<vmem>>, vector<8192xf32>,
    return
  }
  func.func @transform_0(%arg0: i32) -> i32 {
    %c0_i32 = arith.constant 0 : i32
    return %arg0 : i32
  }
  func.func @transform_1(%arg0: i32) -> i32 {
    %c0_i32 = arith.constant 0 : i32
    return %arg0 : i32
  }
  func.func @transform_2(%arg0: i32) -> i32 {
    %c0_i32 = arith.constant 0 : i32
    return %arg0 : i32
  }
  func.func @transform_3(%arg0: i32) -> i32 {
    %c0_i32 = arith.constant 0 : i32
    return %arg0 : i32
  }
  func.func @transform_4(%arg0: i32) -> i32 {
    %c0_i32 = arith.constant 0 : i32
    return %arg0 : i32
  }
  func.func @transform_5(%arg0: i32) -> i32 {
    %c0_i32 = arith.constant 0 : i32
    return %arg0 : i32
  }
  func.func @transform_6(%arg0: i32) -> i32 {
    %c0_i32 = arith.constant 0 : i32
    return %arg0 : i32
  }
  func.func @transform_7(%arg0: i32) -> i32 {
    %c0_i32 = arith.constant 0 : i32
    return %arg0 : i32
  }
  func.func @transform_8(%arg0: i32) -> (i32, i32) {
    %c0_i32 = arith.constant 0 : i32
    %c0_i32_0 = arith.constant 0 : i32
    %c0_i32_1 = arith.constant 0 : i32
    return %c0_i32, %c0_i32_0 : i32, i32
  }
  func.func @transform_9(%arg0: i32) -> (i32, i32) {
    %c0_i32 = arith.constant 0 : i32
    %c0_i32_0 = arith.constant 0 : i32
    %c0_i32_1 = arith.constant 0 : i32
    return %c0_i32, %c0_i32_0 : i32, i32
  }
  func.func @transform_10(%arg0: i32) -> (i32, i32) {
    %c0_i32 = arith.constant 0 : i32
    %c0_i32_0 = arith.constant 0 : i32
    %c0_i32_1 = arith.constant 0 : i32
    return %c0_i32, %c0_i32_0 : i32, i32
  }
  func.func @transform_11(%arg0: i32) -> (i32, i32) {
    %c0_i32 = arith.constant 0 : i32
    %c0_i32_0 = arith.constant 0 : i32
    %c0_i32_1 = arith.constant 0 : i32
    return %c0_i32, %c0_i32_0 : i32, i32
  }
  func.func @transform_12(%arg0: i32) -> (i32, i32) {
    %c0_i32 = arith.constant 0 : i32
    %c0_i32_0 = arith.constant 0 : i32
    %c0_i32_1 = arith.constant 0 : i32
    return %c0_i32, %c0_i32_0 : i32, i32
  }
  func.func @transform_13(%arg0: i32) -> i32 {
    %c0_i32 = arith.constant 0 : i32
    return %arg0 : i32
  }
}

</mosaic_0001>

<sc_bundles>
// kernel: kernel.5.cloned.1.call-start
scs
__scs_entry_jumppad:
0x0: {  	(pc) =	sbr.rel $0x88, $3  }
0x1: {  	(tag) =	ssettag $0x0;
	lr =	simm.s32 $0x1  }
0x2: {  	[smem:$0x3F92] =	sst lr;
	_ =	strace $0xD0000000  }
0x3: {  	_ = 	snop  }
0x4: {  	_ = 	snop  }
0x5: {  	_ = 	snop  }
0x6: {  	_ = 	snop  }
0x7: {  	_ = 	snop  }
__scs_overlays_trampoline_lowered:
0x8: {  	[smem:$0x3FA1] =	sst s0  }
0x9: {  	[smem:$0x3FA2] =	sst s1  }
0xa: {  	[smem:$0x3FA3] =	sst s2  }
0xb: {  	[smem:$0x3FA4] =	sst s3  }
0xc: {  	[smem:$0x3FA5] =	sst s4  }
0xd: {  	[smem:$0x3FA6] =	sst s5  }
0xe: {  	[smem:$0x3FA7] =	sst s6  }
0xf: {  	[smem:$0x3FA8] =	sst s7  }
0x10: {  	[smem:$0x3FA9] =	sst s8  }
0x11: {  	[smem:$0x3FAA] =	sst s9;
	s0 =	simm.s32 @!p0 $0x0  }
0x12: {  	s1 =	sld [smem:$0x3F90];
	s0 =	simm.s32 @p0 $0x1  }
0x13: {  	[smem:$0x3FAB] =	sst s0;
	s0 =	simm.s32 @!p1 $0x0  }
0x14: {  	s2 =	sld [smem:$0x3F8F];
	s0 =	simm.s32 @p1 $0x1  }
0x15: {  	[smem:$0x3FAC] =	sst s0;
	s0 =	simm.s32 @!p2 $0x0  }
0x16: {  	s3 =	sld [smem:$0x3FDB];
	s0 =	simm.s32 @p2 $0x1  }
0x17: {  	s4 =	simm.s32 $0x1BF5;
	[smem:$0x3FAE] =	sst s0  }
0x18: {  	s0 =	sld [smem:$0x3F91];
	_ =	swait.ge [sflag:s4], $0x0  }
0x19: {  	s7 =	sld [smem:$0x3F92]  }
0x1a: {  	s8 =	sadd.s32 $0xFFFFE003, lr  }
0x1b: {  	s9 =	sadd.s32 $0xFFFFFEF7, lr;
	s5 =	simm.s32 $0xFFFFFFFF;
	p2 =	slt.u32 s8, $0xFFFFF086  }
0x1c: {  	p1 =	slt.u32 s9, $0xF7A;
	s5 =	simm.s32 @!p2 $0x0  }
0x1d: {  	s5 =	simm.s32 @p1 $0x1;
	p0 =	seq.s32 s7, s2  }
0x1e: {  	s7 =	smul.u32 @!p0 $0xF7A, s2;
	p2 =	seq.s32 @!p0 s5, $0x0  }
0x1f: {  	s9 =	smul.u32 $0xF7A, s1;
	s8 =	simm.s32 @!p0 $0x1BF5;
	p2 =	por !p2, p0  }
0x20: {  	[sflag:s8] =	ssyncset.s32 @!p0 $0xFFFFF086;
	s6 =	sadd.s32 @!p0 s3, s7;
	s7 =	simm.s32 @!p0 $0x108  }
0x21: {  	s3 =	sadd.s32 s3, s9;
	s6 =	sadd.s32 @!p0 $0x88, s6;
	s7 =	simm.s32 @p2 $0x1082  }
0x22: {  	[simem:s7], [sflag:s8] =	dma.local @!p0 [hbm:s6], $0xF7A  }
0x23: {  	s9 =	sor.u32 $0xD0000000, s2;
	s6 =	simm.s32 $0x108;
	_ =	swait.ge @!p0 [sflag:s8], $0x0  }
0x24: {  	s3 =	sadd.s32 $0x88, s3;
	s6 =	simm.s32 @!p1 $0x1082;
	[sflag:s4] =	ssyncset.s32 $0xFFFFF086  }
0x25: {  	[simem:s6], [sflag:s4] =	dma.local [hbm:s3], $0xF7A  }
0x26: {  	[smem:$0x3F92] =	sst s1;
	(tag) =	ssettag s2;
	_ =	strace s9  }
0x27: {  	s1 =	sld [smem:$0x3FA2]  }
0x28: {  	s2 =	sld [smem:$0x3FA3]  }
0x29: {  	s4 =	sld [smem:$0x3FA5]  }
0x2a: {  	p0 =	seq.s32 s5, $0x0;
	s5 =	sld [smem:$0x3FA6]  }
0x2b: {  	s6 =	sld [smem:$0x3FA7]  }
0x2c: {  	s7 =	sld [smem:$0x3FA8]  }
0x2d: {  	s3 =	simm.s32 $0x108;
	s8 =	sld [smem:$0x3FA9]  }
0x2e: {  	s3 =	simm.s32 @!p0 $0x1082;
	s9 =	sld [smem:$0x3FAA]  }
0x2f: {  	lr =	sadd.s32 s0, s3;
	s0 =	sld [smem:$0x3FA1]  }
0x30: {  	s3 =	sld [smem:$0x3FA4]  }
0x31: {  	[smem:$0x3FAD] =	sst s10  }
0x32: {  	s10 =	sld [smem:$0x3FAB];
	_ =	sdelay $0x3  }
0x33: {  	p0 =	seq.s32 s10, $0x1;
	s10 =	sld [smem:$0x3FAD];
	_ =	sdelay $0x3  }
0x34: {  	[smem:$0x3FAD] =	sst s10  }
0x35: {  	s10 =	sld [smem:$0x3FAC];
	_ =	sdelay $0x3  }
0x36: {  	p1 =	seq.s32 s10, $0x1;
	s10 =	sld [smem:$0x3FAD];
	_ =	sdelay $0x3  }
0x37: {  	[smem:$0x3FAD] =	sst s10  }
0x38: {  	s10 =	sld [smem:$0x3FAE]  }
0x39: {  	_ = 	snop;
	(pc) =	sbr.ind lr, $3  }
0x3a: {  	_ = 	snop  }
0x3b: {  	_ = 	snop  }
0x3c: {  	p2 =	seq.s32 s10, $0x1;
	s10 =	sld [smem:$0x3FAD]  }
0x3d: {  	_ =	shalt  }
0x3e: {  	_ =	shalt  }
0x3f: {  	_ =	shalt  }
0x40: {  	_ =	shalt  }
0x41: {  	_ =	shalt  }
0x42: {  	_ =	shalt  }
0x43: {  	_ =	shalt  }
0x44: {  	_ =	shalt  }
0x45: {  	_ =	shalt  }
0x46: {  	_ =	shalt  }
0x47: {  	_ =	shalt  }
0x48: {  	_ =	shalt  }
0x49: {  	_ =	shalt  }
0x4a: {  	_ =	shalt  }
0x4b: {  	_ =	shalt  }
0x4c: {  	_ =	shalt  }
0x4d: {  	_ =	shalt  }
0x4e: {  	_ =	shalt  }
0x4f: {  	_ =	shalt  }
0x50: {  	_ =	shalt  }
0x51: {  	_ =	shalt  }
0x52: {  	_ =	shalt  }
0x53: {  	_ =	shalt  }
0x54: {  	_ =	shalt  }
0x55: {  	_ =	shalt  }
0x56: {  	_ =	shalt  }
0x57: {  	_ =	shalt  }
0x58: {  	_ =	shalt  }
0x59: {  	_ =	shalt  }
0x5a: {  	_ =	shalt  }
0x5b: {  	_ =	shalt  }
0x5c: {  	_ =	shalt  }
0x5d: {  	_ =	shalt  }
0x5e: {  	_ =	shalt  }
0x5f: {  	_ =	shalt  }
0x60: {  	_ =	shalt  }
0x61: {  	_ =	shalt  }
0x62: {  	_ =	shalt  }
0x63: {  	_ =	shalt  }
0x64: {  	_ =	shalt  }
0x65: {  	_ =	shalt  }
0x66: {  	_ =	shalt  }
0x67: {  	_ =	shalt  }
0x68: {  	_ =	shalt  }
0x69: {  	_ =	shalt  }
0x6a: {  	_ =	shalt  }
0x6b: {  	_ =	shalt  }
0x6c: {  	_ =	shalt  }
0x6d: {  	_ =	shalt  }
0x6e: {  	_ =	shalt  }
0x6f: {  	_ =	shalt  }
0x70: {  	_ =	shalt  }
0x71: {  	_ =	shalt  }
0x72: {  	_ =	shalt  }
0x73: {  	_ =	shalt  }
0x74: {  	_ =	shalt  }
0x75: {  	_ =	shalt  }
0x76: {  	_ =	shalt  }
0x77: {  	_ =	shalt  }
0x78: {  	_ =	shalt  }
0x79: {  	_ =	shalt  }
0x7a: {  	_ =	shalt  }
0x7b: {  	_ =	shalt  }
0x7c: {  	_ =	shalt  }
0x7d: {  	_ =	shalt  }
0x7e: {  	_ =	shalt  }
0x7f: {  	_ =	shalt  }
0x80: {  	_ =	shalt  }
0x81: {  	_ =	shalt  }
0x82: {  	_ =	shalt  }
0x83: {  	_ =	shalt  }
0x84: {  	_ =	shalt  }
0x85: {  	_ =	shalt  }
0x86: {  	_ =	shalt  }
0x87: {  	_ =	shalt  }
.Lfunc_end0:
.L_simem_size_0:
called_computation_lowered:
.L_overlay_start_0:
0x88: {  	s2 =	sld [smem:$0x3FD9]  }
0x89: {  	s3 =	sld [smem:$0x3FFE];
	_ =	sdelay $0x1  }
0x8a: {  	s1 =	srdreg.scid  }
0x8b: {  	s0 =	sand.u32 $0x1, s1  }
0x8c: {  	s17 =	sshll.u32 s0, $0xA;
	s2 =	sadd.s32 s3, s2  }
0x8d: {  	s2 =	sadd.s32 s2, s17  }
0x8e: {  	[smem:$0x3FB9] =	sst s2  }
0x8f: {  	_ = 	snop  }
0x90: {  	s2 =	sld [smem:$0x3FD0];
	(tm) =	ssettm $0x1  }
0x91: {  	s18 =	sld [smem:$0x3FFB];
	_ =	sdelay $0x3  }
0x92: {  	_ =	strace s18  }
0x93: {  	s3 =	sld [smem:$0x3FFC];
	_ =	sdelay $0x3  }
0x94: {  	_ =	strace s3  }
0x95: {  	s3 =	sld [smem:$0x3FFD];
	_ =	sdelay $0x3  }
0x96: {  	_ =	strace s3  }
0x97: {  	_ =	strace $0x8FFFFFFF  }
0x98: {  	s19 =	sld [smem:$0x3FDB];
	_ =	sdelay $0x1  }
0x99: {  	s4 =	simm.s32 $_scs_section_size  }
0x9a: {  	s5 =	simm.s32 $_size__tile_overlayer_lowered;
	s6 =	simm.s32 $_tile_overlayer_lowered  }
0x9b: {  	s22 =	simm.s32 $0x1BFF;
	s21 =	sshll.u32 s6, $0x1;
	s3 =	sadd.s32 s4, s19  }
0x9c: {  	s7 =	simm.s32 $0x0;
	s20 =	sshll.u32 s5, $0x1;
	s5 =	sadd.s32 s21, s3  }
0x9d: {  	[timem:s7], [sflag:s22] =	dma.local [hbm:s5], s20  }
0x9e: {  	_ =	swait.ge [sflag:s22], s20  }
0x9f: {  	s4 =	ssub.s32 $0x0, s20;
	[sflag:s22] =	ssyncset.done $0x0  }
0xa0: {  	[sflag:s22] =	ssyncadd.s32 s4;
	_ =	sdelay $0x1  }
0xa1: {  	s23 =	simm.s32 $0x1B8B  }
0xa2: {  	_ =	swait.ge [sflag:s23], $0x1  }
0xa3: {  	[sflag:s23] =	ssyncset.done $0x0  }
0xa4: {  	s25 =	simm.s32 $0x1B8E;
	s24 =	sld [smem:$0x3FFE];
	[sflag:s23] =	ssyncadd.s32 $0xFFFFFFFF  }
0xa5: {  	s26 =	simm.s32 $execute0_lowered;
	[smem:$0x3FD2] =	sst s25  }
0xa6: {  	s5 =	sshll.u32 s26, $0x1;
	_ =	strace $0x80000046;
	[dreg:$0x1] =	wrdreg $0xFFFFFFFF  }
0xa7: {  	s28 =	simm.s32 $_size_execute0_lowered;
	s3 =	sadd.s32 s3, s5;
	[dreg:$0x0] =	wrdreg $0x0  }
0xa8: {  	s5 =	sshll.u32 s28, $0x1;
	[dreg:$0x2] =	wrdreg s3  }
0xa9: {  	[dreg:$0x3] =	wrdreg s5  }
0xaa: {  	[dreg:$0x4] =	wrdreg $0xC0  }
0xab: {  	_ =	task [dreg:s7], $0x5FFFF  }
0xac: {  	[dreg:$0x1] =	wrdreg $0xFFFFFFFF  }
0xad: {  	[dreg:$0x0] =	wrdreg $0x60  }
0xae: {  	[dreg:$0x2] =	wrdreg s2  }
0xaf: {  	[dreg:$0x3] =	wrdreg s24  }
0xb0: {  	[dreg:$0x4] =	wrdreg $0x9  }
0xb1: {  	_ =	task.clear_ibuf [dreg:s7], $0x5FFFF;
	_ =	strace $0x90000046  }
0xb2: {  	s29 =	simm.s32 $0x9;
	_ =	strace $0x80000048  }
0xb3: {  	_ =	swait.ge [sflag:s29], $0x1  }
0xb4: {  	[sflag:s29] =	ssyncadd.s32 $0xFFFFFFFF  }
0xb5: {  	_ =	strace $0x90000048  }
0xb6: {  	_ =	sfence  }
0xb7: {  	s30 =	sld [smem:$0x0];
	_ =	sdelay $0x2  }
0xb8: {  	s31 =	sshll.u32 s1, $0xD;
	s1 =	sshrl.u32 s1, $0x2  }
0xb9: {  	s3 =	sand.u32 $0x4000, s31;
	s1 =	sadd.s32 s1, s30  }
0xba: {  	s0 =	sor.u32 s3, s0;
	s1 =	sshll.u32 s1, $0x11  }
0xbb: {  	s0 =	sor.u32 s1, s0  }
0xbc: {  	s0 =	sadd.s32 $0x8F2B, s0  }
0xbd: {  	[sflag:s0] =	ssyncadd.remote.s32 $0x1  }
0xbe: {  	_ =	sfence.sel $0xFFFF  }
0xbf: {  	[dreg:$0x0] =	wrdreg $0xFFFFFFFF;
	(pc) =	sbr.abs _section_cstart, $3  }
0xc0: {  	[dreg:$0x1] =	wrdreg $0xFFFFFFFF  }
0xc1: {  	_ =	task.clear_ibuf [dreg:s7], $0x2FFFF;
	_ =	strace $0x9FFFFFFF  }
0xc2: {  	(tm) =	ssettm $0x7FFFFFFF  }
0xc3: {  	_ =	shalt  }
tec
execute0_lowered:
.L_overlay_start_1:
0x0: {  	(tag) =	ssettag $0x1  }
0x1: {  	s0 =	srdreg.scid;
	s4 =	rddreg [dreg:$0x0]  }
0x2: {  	s5 =	rddreg [dreg:$0x1];
	s1 =	stileid.u32  }
0x3: {  	s2 =	simm.s32 $0x0;
	s9 =	simm.s32 $0x80;
	s3 =	sand.u32 $0x1, s0  }
0x4: {  	s10 =	simm.s32 $0x1;
	s11 =	simm.s32 $0x0;
	s6 =	sshll.u32 s3, $0x4  }
0x5: {  	s0 =	rddreg [dreg:$0x2];
	s7 =	ssub.s32 $0x2, s3;
	s6 =	sor.u32 s1, s6  }
0x6: {  	[smem:$0x7FF] =	sst s2;
	s31 =	sshrl.u32 s7, $0x1;
	s6 =	smul.u32 $0xA00, s6  }
0x7: {  	_ =	strace $0x80000047;
	s3 =	sadd.s32 $0x15A00, s5;
	s7 =	ssub.s32 s7, s31  }
0x8: {  	s8 =	sadd.s32 s6, s5;
	s4 =	sadd.s32 s4, s6;
	s6 =	smax.u32 s7, $0x1  }
0x9: {  	s7 =	simm.s32 $0x2;
	s5 =	sadd.s32 $0x1A00, s8;
	s8 =	simm.s32 $0x5000  }
.LBB2_1:
0xa: {  	[tilespmem:s2], [sflag:$0x2] =	stream.linear.gather [hbm4b:s4+s2], $0x5000, $0x38;
	[tilespmem:$0xA000] =	vst v63  }
0xb: {  	_ =	swait.ge [sflag:s7], $0x5000  }
0xc: {  	[sflag:s7] =	ssyncset.done $0x0  }
0xd: {  	[sflag:s7] =	ssyncadd.s32 $0xFFFFB000  }
0xe: {  	[tilespmem:s8], [sflag:$0x2] =	stream.linear.gather [hbm4b:s5+s2], $0x5000, $0x38;
	[tilespmem:$0xA000] =	vst v63  }
0xf: {  	_ =	swait.ge [sflag:s7], $0x5000  }
0x10: {  	s12 =	simm.s32 $0x200;
	[sflag:s7] =	ssyncset.done $0x0  }
0x11: {  	s13 =	simm.s32 $0x0;
	s14 =	simm.s32 $0x5000;
	[sflag:s7] =	ssyncadd.s32 $0xFFFFB000  }
.LBB2_2:
0x12: {  	[hbm4b:s3+s9] =	stream.indirect.scatter [tilespmem:s14], [sflag:$0x1], $0x1, s13, s9, $0xb8;
	[tilespmem:$0xA000] =	vst v63  }
0x13: {  	s13 =	smov.u32 s12;
	p0 =	sne.s32 s12, $0x13E00  }
.Ltmp0:
0x14: {  	s12 =	sadd.s32 $0x200, s12;
	(pc) =	sbr.rel @p0 .LBB2_2-.Ltmp0, $3  }
0x15: {  	_ =	sdelay $0x1  }
0x16: {  	s13 =	sshra.s32 s13, $0x2  }
0x17: {  	s14 =	sadd.s32 $0x5000, s13  }
0x18: {  	s11 =	sadd.s32 $0x1, s11  }
0x19: {  	p0 =	sne.s32 s11, s6  }
.Ltmp1:
0x1a: {  	_ = 	snop;
	(pc) =	sbr.rel @p0 .LBB2_1-.Ltmp1, $4  }
0x1b: {  	[hbm4b:s3+s9] =	stream.indirect.scatter [tilespmem:s14], [sflag:$0x1], $0x1, s13, s9, $0xb8;
	[tilespmem:$0xA000] =	vst v63  }
0x1c: {  	_ =	swait.ge [sflag:s10], $0x5000  }
0x1d: {  	[sflag:s10] =	ssyncset.done $0x0  }
0x1e: {  	[sflag:s10] =	ssyncadd.s32 $0xFFFFB000  }
0x1f: {  	_ =	sfence.sel $0x180000  }
0x20: {  	[bflag:$0x0] =	sbarrier.arrive $0xFFFF  }
0x21: {  	p0 =	sne.s32 s1, $0x0;
	_ =	strace $0x90000047  }
0x22: {  	s0 =	sadd.s32 @!p0 $0x100000, s0;
	[bflag:$0x2] =	sbarrier.arrive $0xFFFF  }
0x23: {  	[sflag:s0] =	ssyncadd.tile.s32 @!p0 $0x1;
	_ =	shalt  }
.Lfunc_end2:
_tile_overlayer_lowered:
.L_overlay_start_2:
0x24: {  	(tag) =	ssettag $0x2  }
0x25: {  	s0 =	rddreg [dreg:$0x0];
	s2 =	stileid.u32  }
0x26: {  	s1 =	rddreg [dreg:$0x1];
	p0 =	sne.s32 s2, $0x0  }
0x27: {  	s3 =	rddreg [dreg:$0x2];
	[bflag:$0x3] =	sbarrier.arrive $0xFFFF;
	s2 =	simm.s32 @!p0 $0x1C02  }
0x28: {  	[timem:s3], [sflag:s2] =	dma.local @!p0 [hbm:s0], s1  }
0x29: {  	s0 =	simm.s32 @!p0 $0x2  }
0x2a: {  	_ =	swait.ge @!p0 [sflag:s0], s1  }
0x2b: {  	s1 =	ssub.s32 @!p0 $0x0, s1;
	[sflag:s0] =	ssyncset.done @!p0 $0x0  }
0x2c: {  	[sflag:s0] =	ssyncadd.s32 @!p0 s1  }
0x2d: {  	[bflag:$0x3] =	sbarrier.arrive $0xFFFF  }
0x2e: {  	_ =	shalt  }

</sc_bundles>
